<compile_context>
chip_gen: v7x
topology: tpu7x:2x2x1
jax: 0.10.2.dev20260603
libtpu: 0.0.44.dev20260713+nightly
codegen_flags: <defaults>
</compile_context>

<pallas_src>
import functools

import jax
import jax.numpy as jnp
from jax import lax
from jax.experimental import pallas as pl
from jax.experimental.pallas import tpu as pltpu
from jax.experimental.pallas import tpu_sc as plsc

VOCAB = 100000
EMBED_DIM = 128
NUM_CORES = 2
NUM_SUBCORES = 16
NUM_WORKERS = NUM_CORES * NUM_SUBCORES
CHUNK = 128
GPM = 2
NBUF = 2


def _embed_kernel(total, chunks_per_worker):
    mesh = plsc.VectorSubcoreMesh(core_axis_name="c", subcore_axis_name="s")
    n = chunks_per_worker
    nm = n // GPM

    @functools.partial(
        pl.kernel,
        out_type=jax.ShapeDtypeStruct((total, EMBED_DIM), jnp.float32),
        mesh=mesh,
        scratch_types=[
            pltpu.VMEM((n, CHUNK), jnp.int32),
            pltpu.VMEM((NBUF, GPM * CHUNK, EMBED_DIM), jnp.float32),
            pltpu.SemaphoreType.DMA((NBUF,)),
            pltpu.SemaphoreType.DMA((NBUF,)),
        ],
    )
    def k(idx_hbm, table_hbm, out_hbm, idx_v, rows_v, gsem, wsem):
        wid = lax.axis_index("s") * NUM_CORES + lax.axis_index("c")
        base = wid * (n * CHUNK)
        pltpu.sync_copy(idx_hbm.at[wid], idx_v)

        def gather(m, b, h):
            return pltpu.make_async_copy(
                table_hbm.at[idx_v.at[m * GPM + h]],
                rows_v.at[b].at[pl.ds(h * CHUNK, CHUNK)],
                gsem.at[b],
            )

        def writeback(m, b):
            return pltpu.make_async_copy(
                rows_v.at[b],
                out_hbm.at[pl.ds(base + m * (GPM * CHUNK), GPM * CHUNK)],
                wsem.at[b],
            )

        for h in range(GPM):
            gather(0, 0, h).start()

        @pl.loop(0, nm, step=NBUF)
        def macro_loop(m0):
            for b in range(NBUF):
                m = m0 + b
                for h in range(GPM):
                    gather(m, b, h).wait()

                @pl.when(m >= 1)
                def _free_buf():
                    writeback(m - 1, 1 - b).wait()

                @pl.when(m + 1 < nm)
                def _start_next():
                    for h in range(GPM):
                        gather(m + 1, 1 - b, h).start()

                writeback(m, b).start()

        writeback(nm - 1, (nm - 1) % NBUF).wait()

    return k


def kernel(x, table):
    batch, hist = x.shape
    total = batch * hist
    chunks_per_worker = total // (NUM_WORKERS * CHUNK)
    idx = x.astype(jnp.int32).reshape(NUM_WORKERS, chunks_per_worker, CHUNK)
    out = _embed_kernel(total, chunks_per_worker)(idx, table)
    return out.reshape(batch, hist, EMBED_DIM)

# --- scband reference (transcript-rebuilt; emitter-appended) ---
"""Pipeline reference for scband-embedding-75960791597334 (READ-ONLY COPY).

The authoritative reference and input builder live on the scoring server;
editing this copy changes nothing except your own understanding.
"""

import jax, jax.numpy as jnp
import numpy as np

VOCAB = 100000
EMBED_DIM = 128
BATCH = 4096
HIST = 200


def setup_inputs(seed: int = 0) -> dict:
    key = jax.random.key(seed)
    k_idx, k_tab = jax.random.split(key)
    x = jax.random.randint(k_idx, (BATCH, HIST), 0, VOCAB, dtype=jnp.int64)
    # nn.Embedding default init: N(0, 1)
    table = jax.random.normal(k_tab, (VOCAB, EMBED_DIM), dtype=jnp.float32)
    return {"x": x, "table": table}


def reference(x, table):
    # Faithful translation of nn.Embedding forward: gather rows of the table.
    return jnp.take(table, x, axis=0)

if __name__ == "__main__":
    import jax
    _d = setup_inputs()
    print(jax.jit(kernel)(*tuple(_d.values())))

</pallas_src>

<mosaic_0001>
#map = affine_map<(d0, d1) -> (0, 0, 0)>
#map1 = affine_map<(d0, d1) -> (0, 0)>
module attributes {stable_mosaic.version = 14 : i64} {
  func.func @k(%arg0: i32, %arg1: i32, %arg2: memref<32x200x128xi32, #tpu.memory_space<hbm>>, %arg3: memref<100000x128xf32, #tpu.memory_space<hbm>>, %arg4: memref<819200x128xf32, #tpu.memory_space<hbm>>, %arg5: memref<200x128xi32, #tpu.memory_space<vmem>>, %arg6: memref<2x256x128xf32, #tpu.memory_space<vmem>>, %arg7: memref<2x!tpu.dma_semaphore, #tpu.memory_space<semaphore_mem>>, %arg8: memref<2x!tpu.dma_semaphore, #tpu.memory_space<semaphore_mem>>) attributes {dimension_semantics = [#tpu.dimension_semantics<core_parallel>, #tpu.dimension_semantics<subcore_parallel>], iteration_bounds = array<i64: 2, 16>, scalar_prefetch = 0 : i64, scratch_operands = 4 : i64, tpu.core_type = #tpu.core_type<sc_vector_subcore>, window_params = [{transform_indices = #map}, {transform_indices = #map1}, {transform_indices = #map1}]} {
    %mul3A = arith.constant 2 : i32
    %mul3A_0 = arith.muli %arg1, %mul3A : i32
    %add3A = arith.addi %mul3A_0, %arg0 : i32
    %mul3A_1 = arith.constant 25600 : i32
    %mul3A_2 = arith.muli %add3A, %mul3A_1 : i32
    "tpu.region"() ({
      %run_scoped3A = tpu.sem_alloc : memref<!tpu.dma_semaphore, #tpu.memory_space<semaphore_mem>>
      %dma_start3A_59 = arith.constant 0 : i32
      %dma_start3A_60 = arith.constant 0 : i32
      %dma_start3A_61 = tpu.memref_slice %arg2[%add3A, %dma_start3A_59, %dma_start3A_60] : memref<32x200x128xi32, #tpu.memory_space<hbm>> -> memref<1x200x128xi32, #tpu.memory_space<hbm>>
      %dma_start3A_62 = tpu.memref_squeeze %dma_start3A_61 : memref<1x200x128xi32, #tpu.memory_space<hbm>> -> memref<200x128xi32, #tpu.memory_space<hbm>>
      %dma_start3A_63 = arith.constant 0 : i32
      %dma_start3A_64 = arith.constant 0 : i32
      %dma_start3A_65 = tpu.memref_slice %arg2[%add3A, %dma_start3A_63, %dma_start3A_64] : memref<32x200x128xi32, #tpu.memory_space<hbm>> -> memref<1x200x128xi32, #tpu.memory_space<hbm>>
      %dma_start3A_66 = tpu.memref_squeeze %dma_start3A_65 : memref<1x200x128xi32, #tpu.memory_space<hbm>> -> memref<200x128xi32, #tpu.memory_space<hbm>>
      tpu.enqueue_dma source(%dma_start3A_66 : memref<200x128xi32, #tpu.memory_space<hbm>>) target(%arg5 : memref<200x128xi32, #tpu.memory_space<vmem>>) target_semaphore(%run_scoped3A : memref<!tpu.dma_semaphore, #tpu.memory_space<semaphore_mem>>)
      %dma_wait3A_67 = arith.constant 0 : i32
      %dma_wait3A_68 = arith.constant 0 : i32
      %dma_wait3A_69 = tpu.memref_slice %arg2[%add3A, %dma_wait3A_67, %dma_wait3A_68] : memref<32x200x128xi32, #tpu.memory_space<hbm>> -> memref<1x200x128xi32, #tpu.memory_space<hbm>>
      %dma_wait3A_70 = tpu.memref_squeeze %dma_wait3A_69 : memref<1x200x128xi32, #tpu.memory_space<hbm>> -> memref<200x128xi32, #tpu.memory_space<hbm>>
      %dma_wait3A_71 = arith.constant 0 : i32
      %dma_wait3A_72 = arith.constant 0 : i32
      %dma_wait3A_73 = tpu.memref_slice %arg2[%add3A, %dma_wait3A_71, %dma_wait3A_72] : memref<32x200x128xi32, #tpu.memory_space<hbm>> -> memref<1x200x128xi32, #tpu.memory_space<hbm>>
      %dma_wait3A_74 = tpu.memref_squeeze %dma_wait3A_73 : memref<1x200x128xi32, #tpu.memory_space<hbm>> -> memref<200x128xi32, #tpu.memory_space<hbm>>
      tpu.wait_dma2 semaphore(%run_scoped3A : memref<!tpu.dma_semaphore, #tpu.memory_space<semaphore_mem>>) src(%dma_wait3A_74 : memref<200x128xi32, #tpu.memory_space<hbm>>) dst(%arg5 : memref<200x128xi32, #tpu.memory_space<vmem>>)
      tpu.yield
    }) : () -> ()
    %dma_start3A = arith.constant 0 : i32
    %dma_start3A_3 = arith.constant 0 : i32
    %dma_start3A_4 = arith.constant 0 : i32
    %dma_start3A_5 = arith.constant 0 : i32
    %dma_start3A_6 = arith.constant 0 : i32
    %dma_start3A_7 = tpu.memref_slice %arg6[%dma_start3A_3, %dma_start3A_5, %dma_start3A_6] : memref<2x256x128xf32, #tpu.memory_space<vmem>> -> memref<1x256x128xf32, #tpu.memory_space<vmem>>
    %dma_start3A_8 = tpu.memref_squeeze %dma_start3A_7 : memref<1x256x128xf32, #tpu.memory_space<vmem>> -> memref<256x128xf32, #tpu.memory_space<vmem>>
    %dma_start3A_9 = arith.constant 0 : i32
    %dma_start3A_10 = arith.constant 0 : i32
    %dma_start3A_11 = tpu.memref_slice %dma_start3A_8[%dma_start3A_9, %dma_start3A_10] : memref<256x128xf32, #tpu.memory_space<vmem>> -> memref<128x128xf32, #tpu.memory_space<vmem>>
    %dma_start3A_12 = arith.constant 0 : i32
    %dma_start3A_13 = tpu.memref_slice %arg5[%dma_start3A, %dma_start3A_12] : memref<200x128xi32, #tpu.memory_space<vmem>> -> memref<1x128xi32, #tpu.memory_space<vmem>>
    %dma_start3A_14 = tpu.memref_squeeze %dma_start3A_13 : memref<1x128xi32, #tpu.memory_space<vmem>> -> memref<128xi32, #tpu.memory_space<vmem>>
    %dma_start3A_15 = arith.constant 0 : i32
    %dma_start3A_16 = arith.constant 0 : i32
    %dma_start3A_17 = tpu.memref_slice %arg3[%dma_start3A_15, %dma_start3A_16] : memref<100000x128xf32, #tpu.memory_space<hbm>> -> memref<100000x128xf32, #tpu.memory_space<hbm>>
    %dma_start3A_18 = tpu.memref_slice %arg7[%dma_start3A_4] : memref<2x!tpu.dma_semaphore, #tpu.memory_space<semaphore_mem>> -> memref<1x!tpu.dma_semaphore, #tpu.memory_space<semaphore_mem>>
    %dma_start3A_19 = tpu.memref_squeeze %dma_start3A_18 : memref<1x!tpu.dma_semaphore, #tpu.memory_space<semaphore_mem>> -> memref<!tpu.dma_semaphore, #tpu.memory_space<semaphore_mem>>
    tpu.enqueue_indirect_dma source(%dma_start3A_17 : memref<100000x128xf32, #tpu.memory_space<hbm>>) target(%dma_start3A_11 : memref<128x128xf32, #tpu.memory_space<vmem>>) offsets(%dma_start3A_14 : memref<128xi32, #tpu.memory_space<vmem>>) semaphore(%dma_start3A_19 : memref<!tpu.dma_semaphore, #tpu.memory_space<semaphore_mem>>)
    %dma_start3A_20 = arith.constant 1 : i32
    %dma_start3A_21 = arith.constant 0 : i32
    %dma_start3A_22 = arith.constant 0 : i32
    %dma_start3A_23 = arith.constant 0 : i32
    %dma_start3A_24 = arith.constant 0 : i32
    %dma_start3A_25 = tpu.memref_slice %arg6[%dma_start3A_21, %dma_start3A_23, %dma_start3A_24] : memref<2x256x128xf32, #tpu.memory_space<vmem>> -> memref<1x256x128xf32, #tpu.memory_space<vmem>>
    %dma_start3A_26 = tpu.memref_squeeze %dma_start3A_25 : memref<1x256x128xf32, #tpu.memory_space<vmem>> -> memref<256x128xf32, #tpu.memory_space<vmem>>
    %dma_start3A_27 = arith.constant 128 : i32
    %dma_start3A_28 = arith.constant 0 : i32
    %dma_start3A_29 = tpu.memref_slice %dma_start3A_26[%dma_start3A_27, %dma_start3A_28] : memref<256x128xf32, #tpu.memory_space<vmem>> -> memref<128x128xf32, #tpu.memory_space<vmem>>
    %dma_start3A_30 = arith.constant 0 : i32
    %dma_start3A_31 = tpu.memref_slice %arg5[%dma_start3A_20, %dma_start3A_30] : memref<200x128xi32, #tpu.memory_space<vmem>> -> memref<1x128xi32, #tpu.memory_space<vmem>>
    %dma_start3A_32 = tpu.memref_squeeze %dma_start3A_31 : memref<1x128xi32, #tpu.memory_space<vmem>> -> memref<128xi32, #tpu.memory_space<vmem>>
    %dma_start3A_33 = arith.constant 0 : i32
    %dma_start3A_34 = arith.constant 0 : i32
    %dma_start3A_35 = tpu.memref_slice %arg3[%dma_start3A_33, %dma_start3A_34] : memref<100000x128xf32, #tpu.memory_space<hbm>> -> memref<100000x128xf32, #tpu.memory_space<hbm>>
    %dma_start3A_36 = tpu.memref_slice %arg7[%dma_start3A_22] : memref<2x!tpu.dma_semaphore, #tpu.memory_space<semaphore_mem>> -> memref<1x!tpu.dma_semaphore, #tpu.memory_space<semaphore_mem>>
    %dma_start3A_37 = tpu.memref_squeeze %dma_start3A_36 : memref<1x!tpu.dma_semaphore, #tpu.memory_space<semaphore_mem>> -> memref<!tpu.dma_semaphore, #tpu.memory_space<semaphore_mem>>
    tpu.enqueue_indirect_dma source(%dma_start3A_35 : memref<100000x128xf32, #tpu.memory_space<hbm>>) target(%dma_start3A_29 : memref<128x128xf32, #tpu.memory_space<vmem>>) offsets(%dma_start3A_32 : memref<128xi32, #tpu.memory_space<vmem>>) semaphore(%dma_start3A_37 : memref<!tpu.dma_semaphore, #tpu.memory_space<semaphore_mem>>)
    %scan3A = arith.constant 0 : i32
    %scan3A_38 = arith.constant 50 : i32
    %scan3A_39 = arith.addi %scan3A, %scan3A_38 : i32
    %scan3A_40 = arith.constant 1 : i32
    scf.for %scan3A_59 = %scan3A to %scan3A_39 step %scan3A_40  : i32 {
      %mul3A_60 = arith.constant 2 : i32
      %mul3A_61 = arith.muli %scan3A_59, %mul3A_60 : i32
      %add3A_62 = arith.constant 0 : i32
      %add3A_63 = arith.addi %add3A_62, %mul3A_61 : i32
      %add3A_64 = arith.constant 0 : i32
      %add3A_65 = arith.addi %add3A_63, %add3A_64 : i32
      %mul3A_66 = arith.constant 2 : i32
      %mul3A_67 = arith.muli %add3A_65, %mul3A_66 : i32
      %add3A_68 = arith.constant 0 : i32
      %add3A_69 = arith.addi %mul3A_67, %add3A_68 : i32
      %dma_wait3A_70 = arith.constant 0 : i32
      %dma_wait3A_71 = arith.constant 0 : i32
      %dma_wait3A_72 = arith.constant 0 : i32
      %dma_wait3A_73 = arith.constant 0 : i32
      %dma_wait3A_74 = tpu.memref_slice %arg6[%dma_wait3A_70, %dma_wait3A_72, %dma_wait3A_73] : memref<2x256x128xf32, #tpu.memory_space<vmem>> -> memref<1x256x128xf32, #tpu.memory_space<vmem>>
      %dma_wait3A_75 = tpu.memref_squeeze %dma_wait3A_74 : memref<1x256x128xf32, #tpu.memory_space<vmem>> -> memref<256x128xf32, #tpu.memory_space<vmem>>
      %dma_wait3A_76 = arith.constant 0 : i32
      %dma_wait3A_77 = arith.constant 0 : i32
      %dma_wait3A_78 = tpu.memref_slice %dma_wait3A_75[%dma_wait3A_76, %dma_wait3A_77] : memref<256x128xf32, #tpu.memory_space<vmem>> -> memref<128x128xf32, #tpu.memory_space<vmem>>
      %dma_wait3A_79 = arith.constant 0 : i32
      %dma_wait3A_80 = tpu.memref_slice %arg5[%add3A_69, %dma_wait3A_79] : memref<200x128xi32, #tpu.memory_space<vmem>> -> memref<1x128xi32, #tpu.memory_space<vmem>>
      %dma_wait3A_81 = tpu.memref_squeeze %dma_wait3A_80 : memref<1x128xi32, #tpu.memory_space<vmem>> -> memref<128xi32, #tpu.memory_space<vmem>>
      %dma_wait3A_82 = arith.constant 0 : i32
      %dma_wait3A_83 = arith.constant 0 : i32
      %dma_wait3A_84 = tpu.memref_slice %arg3[%dma_wait3A_82, %dma_wait3A_83] : memref<100000x128xf32, #tpu.memory_space<hbm>> -> memref<100000x128xf32, #tpu.memory_space<hbm>>
      %dma_wait3A_85 = tpu.memref_slice %arg7[%dma_wait3A_71] : memref<2x!tpu.dma_semaphore, #tpu.memory_space<semaphore_mem>> -> memref<1x!tpu.dma_semaphore, #tpu.memory_space<semaphore_mem>>
      %dma_wait3A_86 = tpu.memref_squeeze %dma_wait3A_85 : memref<1x!tpu.dma_semaphore, #tpu.memory_space<semaphore_mem>> -> memref<!tpu.dma_semaphore, #tpu.memory_space<semaphore_mem>>
      tpu.wait_indirect_dma semaphore(%dma_wait3A_86 : memref<!tpu.dma_semaphore, #tpu.memory_space<semaphore_mem>>) src(%dma_wait3A_84 : memref<100000x128xf32, #tpu.memory_space<hbm>>) dst(%dma_wait3A_78 : memref<128x128xf32, #tpu.memory_space<vmem>>)
      %mul3A_87 = arith.constant 2 : i32
      %mul3A_88 = arith.muli %add3A_65, %mul3A_87 : i32
      %add3A_89 = arith.constant 1 : i32
      %add3A_90 = arith.addi %mul3A_88, %add3A_89 : i32
      %dma_wait3A_91 = arith.constant 0 : i32
      %dma_wait3A_92 = arith.constant 0 : i32
      %dma_wait3A_93 = arith.constant 0 : i32
      %dma_wait3A_94 = arith.constant 0 : i32
      %dma_wait3A_95 = tpu.memref_slice %arg6[%dma_wait3A_91, %dma_wait3A_93, %dma_wait3A_94] : memref<2x256x128xf32, #tpu.memory_space<vmem>> -> memref<1x256x128xf32, #tpu.memory_space<vmem>>
      %dma_wait3A_96 = tpu.memref_squeeze %dma_wait3A_95 : memref<1x256x128xf32, #tpu.memory_space<vmem>> -> memref<256x128xf32, #tpu.memory_space<vmem>>
      %dma_wait3A_97 = arith.constant 128 : i32
      %dma_wait3A_98 = arith.constant 0 : i32
      %dma_wait3A_99 = tpu.memref_slice %dma_wait3A_96[%dma_wait3A_97, %dma_wait3A_98] : memref<256x128xf32, #tpu.memory_space<vmem>> -> memref<128x128xf32, #tpu.memory_space<vmem>>
      %dma_wait3A_100 = arith.constant 0 : i32
      %dma_wait3A_101 = tpu.memref_slice %arg5[%add3A_90, %dma_wait3A_100] : memref<200x128xi32, #tpu.memory_space<vmem>> -> memref<1x128xi32, #tpu.memory_space<vmem>>
      %dma_wait3A_102 = tpu.memref_squeeze %dma_wait3A_101 : memref<1x128xi32, #tpu.memory_space<vmem>> -> memref<128xi32, #tpu.memory_space<vmem>>
      %dma_wait3A_103 = arith.constant 0 : i32
      %dma_wait3A_104 = arith.constant 0 : i32
      %dma_wait3A_105 = tpu.memref_slice %arg3[%dma_wait3A_103, %dma_wait3A_104] : memref<100000x128xf32, #tpu.memory_space<hbm>> -> memref<100000x128xf32, #tpu.memory_space<hbm>>
      %dma_wait3A_106 = tpu.memref_slice %arg7[%dma_wait3A_92] : memref<2x!tpu.dma_semaphore, #tpu.memory_space<semaphore_mem>> -> memref<1x!tpu.dma_semaphore, #tpu.memory_space<semaphore_mem>>
      %dma_wait3A_107 = tpu.memref_squeeze %dma_wait3A_106 : memref<1x!tpu.dma_semaphore, #tpu.memory_space<semaphore_mem>> -> memref<!tpu.dma_semaphore, #tpu.memory_space<semaphore_mem>>
      tpu.wait_indirect_dma semaphore(%dma_wait3A_107 : memref<!tpu.dma_semaphore, #tpu.memory_space<semaphore_mem>>) src(%dma_wait3A_105 : memref<100000x128xf32, #tpu.memory_space<hbm>>) dst(%dma_wait3A_99 : memref<128x128xf32, #tpu.memory_space<vmem>>)
      %ge3A = arith.constant 1 : i32
      %ge3A_108 = arith.cmpi sge, %add3A_65, %ge3A : i32
      %convert_element_type3A = arith.extui %ge3A_108 : i1 to i32
      %cond3A = arith.constant 0 : i32
      %cond3A_109 = arith.cmpi ne, %convert_element_type3A, %cond3A : i32
      scf.if %cond3A_109 {
        %sub3A = arith.constant 1 : i32
        %sub3A_210 = arith.subi %add3A_65, %sub3A : i32
        %mul3A_211 = arith.constant 256 : i32
        %mul3A_212 = arith.muli %sub3A_210, %mul3A_211 : i32
        %add3A_213 = arith.addi %mul3A_2, %mul3A_212 : i32
        %dma_wait3A_214 = arith.constant 1 : i32
        %dma_wait3A_215 = arith.constant 1 : i32
        %dma_wait3A_216 = arith.constant 0 : i32
        %dma_wait3A_217 = arith.constant 0 : i32
        %dma_wait3A_218 = tpu.memref_slice %arg6[%dma_wait3A_214, %dma_wait3A_216, %dma_wait3A_217] : memref<2x256x128xf32, #tpu.memory_space<vmem>> -> memref<1x256x128xf32, #tpu.memory_space<vmem>>
        %dma_wait3A_219 = tpu.memref_squeeze %dma_wait3A_218 : memref<1x256x128xf32, #tpu.memory_space<vmem>> -> memref<256x128xf32, #tpu.memory_space<vmem>>
        %dma_wait3A_220 = arith.constant 0 : i32
        %dma_wait3A_221 = tpu.memref_slice %arg4[%add3A_213, %dma_wait3A_220] : memref<819200x128xf32, #tpu.memory_space<hbm>> -> memref<256x128xf32, #tpu.memory_space<hbm>>
        %dma_wait3A_222 = tpu.memref_slice %arg8[%dma_wait3A_215] : memref<2x!tpu.dma_semaphore, #tpu.memory_space<semaphore_mem>> -> memref<1x!tpu.dma_semaphore, #tpu.memory_space<semaphore_mem>>
        %dma_wait3A_223 = tpu.memref_squeeze %dma_wait3A_222 : memref<1x!tpu.dma_semaphore, #tpu.memory_space<semaphore_mem>> -> memref<!tpu.dma_semaphore, #tpu.memory_space<semaphore_mem>>
        %dma_wait3A_224 = arith.constant 0 : i32
        %dma_wait3A_225 = tpu.memref_slice %arg4[%add3A_213, %dma_wait3A_224] : memref<819200x128xf32, #tpu.memory_space<hbm>> -> memref<256x128xf32, #tpu.memory_space<hbm>>
        %dma_wait3A_226 = arith.constant 0 : i32
        %dma_wait3A_227 = arith.constant 0 : i32
        %dma_wait3A_228 = tpu.memref_slice %arg6[%dma_wait3A_214, %dma_wait3A_226, %dma_wait3A_227] : memref<2x256x128xf32, #tpu.memory_space<vmem>> -> memref<1x256x128xf32, #tpu.memory_space<vmem>>
        %dma_wait3A_229 = tpu.memref_squeeze %dma_wait3A_228 : memref<1x256x128xf32, #tpu.memory_space<vmem>> -> memref<256x128xf32, #tpu.memory_space<vmem>>
        tpu.wait_dma2 semaphore(%dma_wait3A_223 : memref<!tpu.dma_semaphore, #tpu.memory_space<semaphore_mem>>) src(%dma_wait3A_229 : memref<256x128xf32, #tpu.memory_space<vmem>>) dst(%dma_wait3A_225 : memref<256x128xf32, #tpu.memory_space<hbm>>)
      } else {
      }
      %add3A_110 = arith.constant 1 : i32
      %add3A_111 = arith.addi %add3A_65, %add3A_110 : i32
      %lt3A = arith.constant 100 : i32
      %lt3A_112 = arith.cmpi slt, %add3A_111, %lt3A : i32
      %convert_element_type3A_113 = arith.extui %lt3A_112 : i1 to i32
      %cond3A_114 = arith.constant 0 : i32
      %cond3A_115 = arith.cmpi ne, %convert_element_type3A_113, %cond3A_114 : i32
      scf.if %cond3A_115 {
        %add3A_210 = arith.constant 1 : i32
        %add3A_211 = arith.addi %add3A_65, %add3A_210 : i32
        %mul3A_212 = arith.constant 2 : i32
        %mul3A_213 = arith.muli %add3A_211, %mul3A_212 : i32
        %add3A_214 = arith.constant 0 : i32
        %add3A_215 = arith.addi %mul3A_213, %add3A_214 : i32
        %dma_start3A_216 = arith.constant 1 : i32
        %dma_start3A_217 = arith.constant 1 : i32
        %dma_start3A_218 = arith.constant 0 : i32
        %dma_start3A_219 = arith.constant 0 : i32
        %dma_start3A_220 = tpu.memref_slice %arg6[%dma_start3A_216, %dma_start3A_218, %dma_start3A_219] : memref<2x256x128xf32, #tpu.memory_space<vmem>> -> memref<1x256x128xf32, #tpu.memory_space<vmem>>
        %dma_start3A_221 = tpu.memref_squeeze %dma_start3A_220 : memref<1x256x128xf32, #tpu.memory_space<vmem>> -> memref<256x128xf32, #tpu.memory_space<vmem>>
        %dma_start3A_222 = arith.constant 0 : i32
        %dma_start3A_223 = arith.constant 0 : i32
        %dma_start3A_224 = tpu.memref_slice %dma_start3A_221[%dma_start3A_222, %dma_start3A_223] : memref<256x128xf32, #tpu.memory_space<vmem>> -> memref<128x128xf32, #tpu.memory_space<vmem>>
        %dma_start3A_225 = arith.constant 0 : i32
        %dma_start3A_226 = tpu.memref_slice %arg5[%add3A_215, %dma_start3A_225] : memref<200x128xi32, #tpu.memory_space<vmem>> -> memref<1x128xi32, #tpu.memory_space<vmem>>
        %dma_start3A_227 = tpu.memref_squeeze %dma_start3A_226 : memref<1x128xi32, #tpu.memory_space<vmem>> -> memref<128xi32, #tpu.memory_space<vmem>>
        %dma_start3A_228 = arith.constant 0 : i32
        %dma_start3A_229 = arith.constant 0 : i32
        %dma_start3A_230 = tpu.memref_slice %arg3[%dma_start3A_228, %dma_start3A_229] : memref<100000x128xf32, #tpu.memory_space<hbm>> -> memref<100000x128xf32, #tpu.memory_space<hbm>>
        %dma_start3A_231 = tpu.memref_slice %arg7[%dma_start3A_217] : memref<2x!tpu.dma_semaphore, #tpu.memory_space<semaphore_mem>> -> memref<1x!tpu.dma_semaphore, #tpu.memory_space<semaphore_mem>>
        %dma_start3A_232 = tpu.memref_squeeze %dma_start3A_231 : memref<1x!tpu.dma_semaphore, #tpu.memory_space<semaphore_mem>> -> memref<!tpu.dma_semaphore, #tpu.memory_space<semaphore_mem>>
        tpu.enqueue_indirect_dma source(%dma_start3A_230 : memref<100000x128xf32, #tpu.memory_space<hbm>>) target(%dma_start3A_224 : memref<128x128xf32, #tpu.memory_space<vmem>>) offsets(%dma_start3A_227 : memref<128xi32, #tpu.memory_space<vmem>>) semaphore(%dma_start3A_232 : memref<!tpu.dma_semaphore, #tpu.memory_space<semaphore_mem>>)
        %add3A_233 = arith.constant 1 : i32
        %add3A_234 = arith.addi %add3A_65, %add3A_233 : i32
        %mul3A_235 = arith.constant 2 : i32
        %mul3A_236 = arith.muli %add3A_234, %mul3A_235 : i32
        %add3A_237 = arith.constant 1 : i32
        %add3A_238 = arith.addi %mul3A_236, %add3A_237 : i32
        %dma_start3A_239 = arith.constant 1 : i32
        %dma_start3A_240 = arith.constant 1 : i32
        %dma_start3A_241 = arith.constant 0 : i32
        %dma_start3A_242 = arith.constant 0 : i32
        %dma_start3A_243 = tpu.memref_slice %arg6[%dma_start3A_239, %dma_start3A_241, %dma_start3A_242] : memref<2x256x128xf32, #tpu.memory_space<vmem>> -> memref<1x256x128xf32, #tpu.memory_space<vmem>>
        %dma_start3A_244 = tpu.memref_squeeze %dma_start3A_243 : memref<1x256x128xf32, #tpu.memory_space<vmem>> -> memref<256x128xf32, #tpu.memory_space<vmem>>
        %dma_start3A_245 = arith.constant 128 : i32
        %dma_start3A_246 = arith.constant 0 : i32
        %dma_start3A_247 = tpu.memref_slice %dma_start3A_244[%dma_start3A_245, %dma_start3A_246] : memref<256x128xf32, #tpu.memory_space<vmem>> -> memref<128x128xf32, #tpu.memory_space<vmem>>
        %dma_start3A_248 = arith.constant 0 : i32
        %dma_start3A_249 = tpu.memref_slice %arg5[%add3A_238, %dma_start3A_248] : memref<200x128xi32, #tpu.memory_space<vmem>> -> memref<1x128xi32, #tpu.memory_space<vmem>>
        %dma_start3A_250 = tpu.memref_squeeze %dma_start3A_249 : memref<1x128xi32, #tpu.memory_space<vmem>> -> memref<128xi32, #tpu.memory_space<vmem>>
        %dma_start3A_251 = arith.constant 0 : i32
        %dma_start3A_252 = arith.constant 0 : i32
        %dma_start3A_253 = tpu.memref_slice %arg3[%dma_start3A_251, %dma_start3A_252] : memref<100000x128xf32, #tpu.memory_space<hbm>> -> memref<100000x128xf32, #tpu.memory_space<hbm>>
        %dma_start3A_254 = tpu.memref_slice %arg7[%dma_start3A_240] : memref<2x!tpu.dma_semaphore, #tpu.memory_space<semaphore_mem>> -> memref<1x!tpu.dma_semaphore, #tpu.memory_space<semaphore_mem>>
        %dma_start3A_255 = tpu.memref_squeeze %dma_start3A_254 : memref<1x!tpu.dma_semaphore, #tpu.memory_space<semaphore_mem>> -> memref<!tpu.dma_semaphore, #tpu.memory_space<semaphore_mem>>
        tpu.enqueue_indirect_dma source(%dma_start3A_253 : memref<100000x128xf32, #tpu.memory_space<hbm>>) target(%dma_start3A_247 : memref<128x128xf32, #tpu.memory_space<vmem>>) offsets(%dma_start3A_250 : memref<128xi32, #tpu.memory_space<vmem>>) semaphore(%dma_start3A_255 : memref<!tpu.dma_semaphore, #tpu.memory_space<semaphore_mem>>)
      } else {
      }
      %mul3A_116 = arith.constant 256 : i32
      %mul3A_117 = arith.muli %add3A_65, %mul3A_116 : i32
      %add3A_118 = arith.addi %mul3A_2, %mul3A_117 : i32
      %dma_start3A_119 = arith.constant 0 : i32
      %dma_start3A_120 = arith.constant 0 : i32
      %dma_start3A_121 = arith.constant 0 : i32
      %dma_start3A_122 = arith.constant 0 : i32
      %dma_start3A_123 = tpu.memref_slice %arg6[%dma_start3A_119, %dma_start3A_121, %dma_start3A_122] : memref<2x256x128xf32, #tpu.memory_space<vmem>> -> memref<1x256x128xf32, #tpu.memory_space<vmem>>
      %dma_start3A_124 = tpu.memref_squeeze %dma_start3A_123 : memref<1x256x128xf32, #tpu.memory_space<vmem>> -> memref<256x128xf32, #tpu.memory_space<vmem>>
      %dma_start3A_125 = arith.constant 0 : i32
      %dma_start3A_126 = tpu.memref_slice %arg4[%add3A_118, %dma_start3A_125] : memref<819200x128xf32, #tpu.memory_space<hbm>> -> memref<256x128xf32, #tpu.memory_space<hbm>>
      %dma_start3A_127 = tpu.memref_slice %arg8[%dma_start3A_120] : memref<2x!tpu.dma_semaphore, #tpu.memory_space<semaphore_mem>> -> memref<1x!tpu.dma_semaphore, #tpu.memory_space<semaphore_mem>>
      %dma_start3A_128 = tpu.memref_squeeze %dma_start3A_127 : memref<1x!tpu.dma_semaphore, #tpu.memory_space<semaphore_mem>> -> memref<!tpu.dma_semaphore, #tpu.memory_space<semaphore_mem>>
      %dma_start3A_129 = arith.constant 0 : i32
      %dma_start3A_130 = tpu.memref_slice %arg4[%add3A_118, %dma_start3A_129] : memref<819200x128xf32, #tpu.memory_space<hbm>> -> memref<256x128xf32, #tpu.memory_space<hbm>>
      %dma_start3A_131 = arith.constant 0 : i32
      %dma_start3A_132 = arith.constant 0 : i32
      %dma_start3A_133 = tpu.memref_slice %arg6[%dma_start3A_119, %dma_start3A_131, %dma_start3A_132] : memref<2x256x128xf32, #tpu.memory_space<vmem>> -> memref<1x256x128xf32, #tpu.memory_space<vmem>>
      %dma_start3A_134 = tpu.memref_squeeze %dma_start3A_133 : memref<1x256x128xf32, #tpu.memory_space<vmem>> -> memref<256x128xf32, #tpu.memory_space<vmem>>
      tpu.enqueue_dma source(%dma_start3A_134 : memref<256x128xf32, #tpu.memory_space<vmem>>) target(%dma_start3A_130 : memref<256x128xf32, #tpu.memory_space<hbm>>) target_semaphore(%dma_start3A_128 : memref<!tpu.dma_semaphore, #tpu.memory_space<semaphore_mem>>)
      %add3A_135 = arith.constant 1 : i32
      %add3A_136 = arith.addi %add3A_63, %add3A_135 : i32
      %mul3A_137 = arith.constant 2 : i32
      %mul3A_138 = arith.muli %add3A_136, %mul3A_137 : i32
      %add3A_139 = arith.constant 0 : i32
      %add3A_140 = arith.addi %mul3A_138, %add3A_139 : i32
      %dma_wait3A_141 = arith.constant 1 : i32
      %dma_wait3A_142 = arith.constant 1 : i32
      %dma_wait3A_143 = arith.constant 0 : i32
      %dma_wait3A_144 = arith.constant 0 : i32
      %dma_wait3A_145 = tpu.memref_slice %arg6[%dma_wait3A_141, %dma_wait3A_143, %dma_wait3A_144] : memref<2x256x128xf32, #tpu.memory_space<vmem>> -> memref<1x256x128xf32, #tpu.memory_space<vmem>>
      %dma_wait3A_146 = tpu.memref_squeeze %dma_wait3A_145 : memref<1x256x128xf32, #tpu.memory_space<vmem>> -> memref<256x128xf32, #tpu.memory_space<vmem>>
      %dma_wait3A_147 = arith.constant 0 : i32
      %dma_wait3A_148 = arith.constant 0 : i32
      %dma_wait3A_149 = tpu.memref_slice %dma_wait3A_146[%dma_wait3A_147, %dma_wait3A_148] : memref<256x128xf32, #tpu.memory_space<vmem>> -> memref<128x128xf32, #tpu.memory_space<vmem>>
      %dma_wait3A_150 = arith.constant 0 : i32
      %dma_wait3A_151 = tpu.memref_slice %arg5[%add3A_140, %dma_wait3A_150] : memref<200x128xi32, #tpu.memory_space<vmem>> -> memref<1x128xi32, #tpu.memory_space<vmem>>
      %dma_wait3A_152 = tpu.memref_squeeze %dma_wait3A_151 : memref<1x128xi32, #tpu.memory_space<vmem>> -> memref<128xi32, #tpu.memory_space<vmem>>
      %dma_wait3A_153 = arith.constant 0 : i32
      %dma_wait3A_154 = arith.constant 0 : i32
      %dma_wait3A_155 = tpu.memref_slice %arg3[%dma_wait3A_153, %dma_wait3A_154] : memref<100000x128xf32, #tpu.memory_space<hbm>> -> memref<100000x128xf32, #tpu.memory_space<hbm>>
      %dma_wait3A_156 = tpu.memref_slice %arg7[%dma_wait3A_142] : memref<2x!tpu.dma_semaphore, #tpu.memory_space<semaphore_mem>> -> memref<1x!tpu.dma_semaphore, #tpu.memory_space<semaphore_mem>>
      %dma_wait3A_157 = tpu.memref_squeeze %dma_wait3A_156 : memref<1x!tpu.dma_semaphore, #tpu.memory_space<semaphore_mem>> -> memref<!tpu.dma_semaphore, #tpu.memory_space<semaphore_mem>>
      tpu.wait_indirect_dma semaphore(%dma_wait3A_157 : memref<!tpu.dma_semaphore, #tpu.memory_space<semaphore_mem>>) src(%dma_wait3A_155 : memref<100000x128xf32, #tpu.memory_space<hbm>>) dst(%dma_wait3A_149 : memref<128x128xf32, #tpu.memory_space<vmem>>)
      %mul3A_158 = arith.constant 2 : i32
      %mul3A_159 = arith.muli %add3A_136, %mul3A_158 : i32
      %add3A_160 = arith.constant 1 : i32
      %add3A_161 = arith.addi %mul3A_159, %add3A_160 : i32
      %dma_wait3A_162 = arith.constant 1 : i32
      %dma_wait3A_163 = arith.constant 1 : i32
      %dma_wait3A_164 = arith.constant 0 : i32
      %dma_wait3A_165 = arith.constant 0 : i32
      %dma_wait3A_166 = tpu.memref_slice %arg6[%dma_wait3A_162, %dma_wait3A_164, %dma_wait3A_165] : memref<2x256x128xf32, #tpu.memory_space<vmem>> -> memref<1x256x128xf32, #tpu.memory_space<vmem>>
      %dma_wait3A_167 = tpu.memref_squeeze %dma_wait3A_166 : memref<1x256x128xf32, #tpu.memory_space<vmem>> -> memref<256x128xf32, #tpu.memory_space<vmem>>
      %dma_wait3A_168 = arith.constant 128 : i32
      %dma_wait3A_169 = arith.constant 0 : i32
      %dma_wait3A_170 = tpu.memref_slice %dma_wait3A_167[%dma_wait3A_168, %dma_wait3A_169] : memref<256x128xf32, #tpu.memory_space<vmem>> -> memref<128x128xf32, #tpu.memory_space<vmem>>
      %dma_wait3A_171 = arith.constant 0 : i32
      %dma_wait3A_172 = tpu.memref_slice %arg5[%add3A_161, %dma_wait3A_171] : memref<200x128xi32, #tpu.memory_space<vmem>> -> memref<1x128xi32, #tpu.memory_space<vmem>>
      %dma_wait3A_173 = tpu.memref_squeeze %dma_wait3A_172 : memref<1x128xi32, #tpu.memory_space<vmem>> -> memref<128xi32, #tpu.memory_space<vmem>>
      %dma_wait3A_174 = arith.constant 0 : i32
      %dma_wait3A_175 = arith.constant 0 : i32
      %dma_wait3A_176 = tpu.memref_slice %arg3[%dma_wait3A_174, %dma_wait3A_175] : memref<100000x128xf32, #tpu.memory_space<hbm>> -> memref<100000x128xf32, #tpu.memory_space<hbm>>
      %dma_wait3A_177 = tpu.memref_slice %arg7[%dma_wait3A_163] : memref<2x!tpu.dma_semaphore, #tpu.memory_space<semaphore_mem>> -> memref<1x!tpu.dma_semaphore, #tpu.memory_space<semaphore_mem>>
      %dma_wait3A_178 = tpu.memref_squeeze %dma_wait3A_177 : memref<1x!tpu.dma_semaphore, #tpu.memory_space<semaphore_mem>> -> memref<!tpu.dma_semaphore, #tpu.memory_space<semaphore_mem>>
      tpu.wait_indirect_dma semaphore(%dma_wait3A_178 : memref<!tpu.dma_semaphore, #tpu.memory_space<semaphore_mem>>) src(%dma_wait3A_176 : memref<100000x128xf32, #tpu.memory_space<hbm>>) dst(%dma_wait3A_170 : memref<128x128xf32, #tpu.memory_space<vmem>>)
      %ge3A_179 = arith.constant 1 : i32
      %ge3A_180 = arith.cmpi sge, %add3A_136, %ge3A_179 : i32
      %convert_element_type3A_181 = arith.extui %ge3A_180 : i1 to i32
      %cond3A_182 = arith.constant 0 : i32
      %cond3A_183 = arith.cmpi ne, %convert_element_type3A_181, %cond3A_182 : i32
      scf.if %cond3A_183 {
        %sub3A = arith.constant 1 : i32
        %sub3A_210 = arith.subi %add3A_136, %sub3A : i32
        %mul3A_211 = arith.constant 256 : i32
        %mul3A_212 = arith.muli %sub3A_210, %mul3A_211 : i32
        %add3A_213 = arith.addi %mul3A_2, %mul3A_212 : i32
        %dma_wait3A_214 = arith.constant 0 : i32
        %dma_wait3A_215 = arith.constant 0 : i32
        %dma_wait3A_216 = arith.constant 0 : i32
        %dma_wait3A_217 = arith.constant 0 : i32
        %dma_wait3A_218 = tpu.memref_slice %arg6[%dma_wait3A_214, %dma_wait3A_216, %dma_wait3A_217] : memref<2x256x128xf32, #tpu.memory_space<vmem>> -> memref<1x256x128xf32, #tpu.memory_space<vmem>>
        %dma_wait3A_219 = tpu.memref_squeeze %dma_wait3A_218 : memref<1x256x128xf32, #tpu.memory_space<vmem>> -> memref<256x128xf32, #tpu.memory_space<vmem>>
        %dma_wait3A_220 = arith.constant 0 : i32
        %dma_wait3A_221 = tpu.memref_slice %arg4[%add3A_213, %dma_wait3A_220] : memref<819200x128xf32, #tpu.memory_space<hbm>> -> memref<256x128xf32, #tpu.memory_space<hbm>>
        %dma_wait3A_222 = tpu.memref_slice %arg8[%dma_wait3A_215] : memref<2x!tpu.dma_semaphore, #tpu.memory_space<semaphore_mem>> -> memref<1x!tpu.dma_semaphore, #tpu.memory_space<semaphore_mem>>
        %dma_wait3A_223 = tpu.memref_squeeze %dma_wait3A_222 : memref<1x!tpu.dma_semaphore, #tpu.memory_space<semaphore_mem>> -> memref<!tpu.dma_semaphore, #tpu.memory_space<semaphore_mem>>
        %dma_wait3A_224 = arith.constant 0 : i32
        %dma_wait3A_225 = tpu.memref_slice %arg4[%add3A_213, %dma_wait3A_224] : memref<819200x128xf32, #tpu.memory_space<hbm>> -> memref<256x128xf32, #tpu.memory_space<hbm>>
        %dma_wait3A_226 = arith.constant 0 : i32
        %dma_wait3A_227 = arith.constant 0 : i32
        %dma_wait3A_228 = tpu.memref_slice %arg6[%dma_wait3A_214, %dma_wait3A_226, %dma_wait3A_227] : memref<2x256x128xf32, #tpu.memory_space<vmem>> -> memref<1x256x128xf32, #tpu.memory_space<vmem>>
        %dma_wait3A_229 = tpu.memref_squeeze %dma_wait3A_228 : memref<1x256x128xf32, #tpu.memory_space<vmem>> -> memref<256x128xf32, #tpu.memory_space<vmem>>
        tpu.wait_dma2 semaphore(%dma_wait3A_223 : memref<!tpu.dma_semaphore, #tpu.memory_space<semaphore_mem>>) src(%dma_wait3A_229 : memref<256x128xf32, #tpu.memory_space<vmem>>) dst(%dma_wait3A_225 : memref<256x128xf32, #tpu.memory_space<hbm>>)
      } else {
      }
      %add3A_184 = arith.constant 1 : i32
      %add3A_185 = arith.addi %add3A_136, %add3A_184 : i32
      %lt3A_186 = arith.constant 100 : i32
      %lt3A_187 = arith.cmpi slt, %add3A_185, %lt3A_186 : i32
      %convert_element_type3A_188 = arith.extui %lt3A_187 : i1 to i32
      %cond3A_189 = arith.constant 0 : i32
      %cond3A_190 = arith.cmpi ne, %convert_element_type3A_188, %cond3A_189 : i32
      scf.if %cond3A_190 {
        %add3A_210 = arith.constant 1 : i32
        %add3A_211 = arith.addi %add3A_136, %add3A_210 : i32
        %mul3A_212 = arith.constant 2 : i32
        %mul3A_213 = arith.muli %add3A_211, %mul3A_212 : i32
        %add3A_214 = arith.constant 0 : i32
        %add3A_215 = arith.addi %mul3A_213, %add3A_214 : i32
        %dma_start3A_216 = arith.constant 0 : i32
        %dma_start3A_217 = arith.constant 0 : i32
        %dma_start3A_218 = arith.constant 0 : i32
        %dma_start3A_219 = arith.constant 0 : i32
        %dma_start3A_220 = tpu.memref_slice %arg6[%dma_start3A_216, %dma_start3A_218, %dma_start3A_219] : memref<2x256x128xf32, #tpu.memory_space<vmem>> -> memref<1x256x128xf32, #tpu.memory_space<vmem>>
        %dma_start3A_221 = tpu.memref_squeeze %dma_start3A_220 : memref<1x256x128xf32, #tpu.memory_space<vmem>> -> memref<256x128xf32, #tpu.memory_space<vmem>>
        %dma_start3A_222 = arith.constant 0 : i32
        %dma_start3A_223 = arith.constant 0 : i32
        %dma_start3A_224 = tpu.memref_slice %dma_start3A_221[%dma_start3A_222, %dma_start3A_223] : memref<256x128xf32, #tpu.memory_space<vmem>> -> memref<128x128xf32, #tpu.memory_space<vmem>>
        %dma_start3A_225 = arith.constant 0 : i32
        %dma_start3A_226 = tpu.memref_slice %arg5[%add3A_215, %dma_start3A_225] : memref<200x128xi32, #tpu.memory_space<vmem>> -> memref<1x128xi32, #tpu.memory_space<vmem>>
        %dma_start3A_227 = tpu.memref_squeeze %dma_start3A_226 : memref<1x128xi32, #tpu.memory_space<vmem>> -> memref<128xi32, #tpu.memory_space<vmem>>
        %dma_start3A_228 = arith.constant 0 : i32
        %dma_start3A_229 = arith.constant 0 : i32
        %dma_start3A_230 = tpu.memref_slice %arg3[%dma_start3A_228, %dma_start3A_229] : memref<100000x128xf32, #tpu.memory_space<hbm>> -> memref<100000x128xf32, #tpu.memory_space<hbm>>
        %dma_start3A_231 = tpu.memref_slice %arg7[%dma_start3A_217] : memref<2x!tpu.dma_semaphore, #tpu.memory_space<semaphore_mem>> -> memref<1x!tpu.dma_semaphore, #tpu.memory_space<semaphore_mem>>
        %dma_start3A_232 = tpu.memref_squeeze %dma_start3A_231 : memref<1x!tpu.dma_semaphore, #tpu.memory_space<semaphore_mem>> -> memref<!tpu.dma_semaphore, #tpu.memory_space<semaphore_mem>>
        tpu.enqueue_indirect_dma source(%dma_start3A_230 : memref<100000x128xf32, #tpu.memory_space<hbm>>) target(%dma_start3A_224 : memref<128x128xf32, #tpu.memory_space<vmem>>) offsets(%dma_start3A_227 : memref<128xi32, #tpu.memory_space<vmem>>) semaphore(%dma_start3A_232 : memref<!tpu.dma_semaphore, #tpu.memory_space<semaphore_mem>>)
        %add3A_233 = arith.constant 1 : i32
        %add3A_234 = arith.addi %add3A_136, %add3A_233 : i32
        %mul3A_235 = arith.constant 2 : i32
        %mul3A_236 = arith.muli %add3A_234, %mul3A_235 : i32
        %add3A_237 = arith.constant 1 : i32
        %add3A_238 = arith.addi %mul3A_236, %add3A_237 : i32
        %dma_start3A_239 = arith.constant 0 : i32
        %dma_start3A_240 = arith.constant 0 : i32
        %dma_start3A_241 = arith.constant 0 : i32
        %dma_start3A_242 = arith.constant 0 : i32
        %dma_start3A_243 = tpu.memref_slice %arg6[%dma_start3A_239, %dma_start3A_241, %dma_start3A_242] : memref<2x256x128xf32, #tpu.memory_space<vmem>> -> memref<1x256x128xf32, #tpu.memory_space<vmem>>
        %dma_start3A_244 = tpu.memref_squeeze %dma_start3A_243 : memref<1x256x128xf32, #tpu.memory_space<vmem>> -> memref<256x128xf32, #tpu.memory_space<vmem>>
        %dma_start3A_245 = arith.constant 128 : i32
        %dma_start3A_246 = arith.constant 0 : i32
        %dma_start3A_247 = tpu.memref_slice %dma_start3A_244[%dma_start3A_245, %dma_start3A_246] : memref<256x128xf32, #tpu.memory_space<vmem>> -> memref<128x128xf32, #tpu.memory_space<vmem>>
        %dma_start3A_248 = arith.constant 0 : i32
        %dma_start3A_249 = tpu.memref_slice %arg5[%add3A_238, %dma_start3A_248] : memref<200x128xi32, #tpu.memory_space<vmem>> -> memref<1x128xi32, #tpu.memory_space<vmem>>
        %dma_start3A_250 = tpu.memref_squeeze %dma_start3A_249 : memref<1x128xi32, #tpu.memory_space<vmem>> -> memref<128xi32, #tpu.memory_space<vmem>>
        %dma_start3A_251 = arith.constant 0 : i32
        %dma_start3A_252 = arith.constant 0 : i32
        %dma_start3A_253 = tpu.memref_slice %arg3[%dma_start3A_251, %dma_start3A_252] : memref<100000x128xf32, #tpu.memory_space<hbm>> -> memref<100000x128xf32, #tpu.memory_space<hbm>>
        %dma_start3A_254 = tpu.memref_slice %arg7[%dma_start3A_240] : memref<2x!tpu.dma_semaphore, #tpu.memory_space<semaphore_mem>> -> memref<1x!tpu.dma_semaphore, #tpu.memory_space<semaphore_mem>>
        %dma_start3A_255 = tpu.memref_squeeze %dma_start3A_254 : memref<1x!tpu.dma_semaphore, #tpu.memory_space<semaphore_mem>> -> memref<!tpu.dma_semaphore, #tpu.memory_space<semaphore_mem>>
        tpu.enqueue_indirect_dma source(%dma_start3A_253 : memref<100000x128xf32, #tpu.memory_space<hbm>>) target(%dma_start3A_247 : memref<128x128xf32, #tpu.memory_space<vmem>>) offsets(%dma_start3A_250 : memref<128xi32, #tpu.memory_space<vmem>>) semaphore(%dma_start3A_255 : memref<!tpu.dma_semaphore, #tpu.memory_space<semaphore_mem>>)
      } else {
      }
      %mul3A_191 = arith.constant 256 : i32
      %mul3A_192 = arith.muli %add3A_136, %mul3A_191 : i32
      %add3A_193 = arith.addi %mul3A_2, %mul3A_192 : i32
      %dma_start3A_194 = arith.constant 1 : i32
      %dma_start3A_195 = arith.constant 1 : i32
      %dma_start3A_196 = arith.constant 0 : i32
      %dma_start3A_197 = arith.constant 0 : i32
      %dma_start3A_198 = tpu.memref_slice %arg6[%dma_start3A_194, %dma_start3A_196, %dma_start3A_197] : memref<2x256x128xf32, #tpu.memory_space<vmem>> -> memref<1x256x128xf32, #tpu.memory_space<vmem>>
      %dma_start3A_199 = tpu.memref_squeeze %dma_start3A_198 : memref<1x256x128xf32, #tpu.memory_space<vmem>> -> memref<256x128xf32, #tpu.memory_space<vmem>>
      %dma_start3A_200 = arith.constant 0 : i32
      %dma_start3A_201 = tpu.memref_slice %arg4[%add3A_193, %dma_start3A_200] : memref<819200x128xf32, #tpu.memory_space<hbm>> -> memref<256x128xf32, #tpu.memory_space<hbm>>
      %dma_start3A_202 = tpu.memref_slice %arg8[%dma_start3A_195] : memref<2x!tpu.dma_semaphore, #tpu.memory_space<semaphore_mem>> -> memref<1x!tpu.dma_semaphore, #tpu.memory_space<semaphore_mem>>
      %dma_start3A_203 = tpu.memref_squeeze %dma_start3A_202 : memref<1x!tpu.dma_semaphore, #tpu.memory_space<semaphore_mem>> -> memref<!tpu.dma_semaphore, #tpu.memory_space<semaphore_mem>>
      %dma_start3A_204 = arith.constant 0 : i32
      %dma_start3A_205 = tpu.memref_slice %arg4[%add3A_193, %dma_start3A_204] : memref<819200x128xf32, #tpu.memory_space<hbm>> -> memref<256x128xf32, #tpu.memory_space<hbm>>
      %dma_start3A_206 = arith.constant 0 : i32
      %dma_start3A_207 = arith.constant 0 : i32
      %dma_start3A_208 = tpu.memref_slice %arg6[%dma_start3A_194, %dma_start3A_206, %dma_start3A_207] : memref<2x256x128xf32, #tpu.memory_space<vmem>> -> memref<1x256x128xf32, #tpu.memory_space<vmem>>
      %dma_start3A_209 = tpu.memref_squeeze %dma_start3A_208 : memref<1x256x128xf32, #tpu.memory_space<vmem>> -> memref<256x128xf32, #tpu.memory_space<vmem>>
      tpu.enqueue_dma source(%dma_start3A_209 : memref<256x128xf32, #tpu.memory_space<vmem>>) target(%dma_start3A_205 : memref<256x128xf32, #tpu.memory_space<hbm>>) target_semaphore(%dma_start3A_203 : memref<!tpu.dma_semaphore, #tpu.memory_space<semaphore_mem>>)
    }
    %scan3A_41 = arith.constant 50 : i32
    %add3A_42 = arith.constant 25344 : i32
    %add3A_43 = arith.addi %mul3A_2, %add3A_42 : i32
    %dma_wait3A = arith.constant 1 : i32
    %dma_wait3A_44 = arith.constant 1 : i32
    %dma_wait3A_45 = arith.constant 0 : i32
    %dma_wait3A_46 = arith.constant 0 : i32
    %dma_wait3A_47 = tpu.memref_slice %arg6[%dma_wait3A, %dma_wait3A_45, %dma_wait3A_46] : memref<2x256x128xf32, #tpu.memory_space<vmem>> -> memref<1x256x128xf32, #tpu.memory_space<vmem>>
    %dma_wait3A_48 = tpu.memref_squeeze %dma_wait3A_47 : memref<1x256x128xf32, #tpu.memory_space<vmem>> -> memref<256x128xf32, #tpu.memory_space<vmem>>
    %dma_wait3A_49 = arith.constant 0 : i32
    %dma_wait3A_50 = tpu.memref_slice %arg4[%add3A_43, %dma_wait3A_49] : memref<819200x128xf32, #tpu.memory_space<hbm>> -> memref<256x128xf32, #tpu.memory_space<hbm>>
    %dma_wait3A_51 = tpu.memref_slice %arg8[%dma_wait3A_44] : memref<2x!tpu.dma_semaphore, #tpu.memory_space<semaphore_mem>> -> memref<1x!tpu.dma_semaphore, #tpu.memory_space<semaphore_mem>>
    %dma_wait3A_52 = tpu.memref_squeeze %dma_wait3A_51 : memref<1x!tpu.dma_semaphore, #tpu.memory_space<semaphore_mem>> -> memref<!tpu.dma_semaphore, #tpu.memory_space<semaphore_mem>>
    %dma_wait3A_53 = arith.constant 0 : i32
    %dma_wait3A_54 = tpu.memref_slice %arg4[%add3A_43, %dma_wait3A_53] : memref<819200x128xf32, #tpu.memory_space<hbm>> -> memref<256x128xf32, #tpu.memory_space<hbm>>
    %dma_wait3A_55 = arith.constant 0 : i32
    %dma_wait3A_56 = arith.constant 0 : i32
    %dma_wait3A_57 = tpu.memref_slice %arg6[%dma_wait3A, %dma_wait3A_55, %dma_wait3A_56] : memref<2x256x128xf32, #tpu.memory_space<vmem>> -> memref<1x256x128xf32, #tpu.memory_space<vmem>>
    %dma_wait3A_58 = tpu.memref_squeeze %dma_wait3A_57 : memref<1x256x128xf32, #tpu.memory_space<vmem>> -> memref<256x128xf32, #tpu.memory_space<vmem>>
    tpu.wait_dma2 semaphore(%dma_wait3A_52 : memref<!tpu.dma_semaphore, #tpu.memory_space<semaphore_mem>>) src(%dma_wait3A_58 : memref<256x128xf32, #tpu.memory_space<vmem>>) dst(%dma_wait3A_54 : memref<256x128xf32, #tpu.memory_space<hbm>>)
    return
  }
}

</mosaic_0001>

<sc_bundles>
// kernel: kernel.3.cloned.1.call-start
scs
__scs_entry_jumppad:
0x0: {  	(pc) =	sbr.rel $0x88, $3  }
0x1: {  	(tag) =	ssettag $0x0;
	lr =	simm.s32 $0x1  }
0x2: {  	[smem:$0x3F9F] =	sst lr;
	_ =	strace $0xD0000000  }
0x3: {  	_ = 	snop  }
0x4: {  	_ = 	snop  }
0x5: {  	_ = 	snop  }
0x6: {  	_ = 	snop  }
0x7: {  	_ = 	snop  }
__scs_overlays_trampoline_lowered:
0x8: {  	[smem:$0x3FAE] =	sst s0  }
0x9: {  	[smem:$0x3FAF] =	sst s1  }
0xa: {  	[smem:$0x3FB0] =	sst s2  }
0xb: {  	[smem:$0x3FB1] =	sst s3  }
0xc: {  	[smem:$0x3FB2] =	sst s4  }
0xd: {  	[smem:$0x3FB3] =	sst s5  }
0xe: {  	[smem:$0x3FB4] =	sst s6  }
0xf: {  	[smem:$0x3FB5] =	sst s7  }
0x10: {  	[smem:$0x3FB6] =	sst s8  }
0x11: {  	[smem:$0x3FB7] =	sst s9;
	s0 =	simm.s32 @!p0 $0x0  }
0x12: {  	s1 =	sld [smem:$0x3F9D];
	s0 =	simm.s32 @p0 $0x1  }
0x13: {  	[smem:$0x3FB8] =	sst s0;
	s0 =	simm.s32 @!p1 $0x0  }
0x14: {  	s2 =	sld [smem:$0x3F9C];
	s0 =	simm.s32 @p1 $0x1  }
0x15: {  	[smem:$0x3FB9] =	sst s0;
	s0 =	simm.s32 @!p2 $0x0  }
0x16: {  	s3 =	sld [smem:$0x3FDB];
	s0 =	simm.s32 @p2 $0x1  }
0x17: {  	s4 =	simm.s32 $0x1BF5;
	[smem:$0x3FBB] =	sst s0  }
0x18: {  	s0 =	sld [smem:$0x3F9E];
	_ =	swait.ge [sflag:s4], $0x0  }
0x19: {  	s7 =	sld [smem:$0x3F9F]  }
0x1a: {  	s8 =	sadd.s32 $0xFFFFE003, lr  }
0x1b: {  	s9 =	sadd.s32 $0xFFFFFEF7, lr;
	s5 =	simm.s32 $0xFFFFFFFF;
	p2 =	slt.u32 s8, $0xFFFFF086  }
0x1c: {  	p1 =	slt.u32 s9, $0xF7A;
	s5 =	simm.s32 @!p2 $0x0  }
0x1d: {  	s5 =	simm.s32 @p1 $0x1;
	p0 =	seq.s32 s7, s2  }
0x1e: {  	s7 =	smul.u32 @!p0 $0xF7A, s2;
	p2 =	seq.s32 @!p0 s5, $0x0  }
0x1f: {  	s9 =	smul.u32 $0xF7A, s1;
	s8 =	simm.s32 @!p0 $0x1BF5;
	p2 =	por !p2, p0  }
0x20: {  	[sflag:s8] =	ssyncset.s32 @!p0 $0xFFFFF086;
	s6 =	sadd.s32 @!p0 s3, s7;
	s7 =	simm.s32 @!p0 $0x108  }
0x21: {  	s3 =	sadd.s32 s3, s9;
	s6 =	sadd.s32 @!p0 $0x88, s6;
	s7 =	simm.s32 @p2 $0x1082  }
0x22: {  	[simem:s7], [sflag:s8] =	dma.local @!p0 [hbm:s6], $0xF7A  }
0x23: {  	s9 =	sor.u32 $0xD0000000, s2;
	s6 =	simm.s32 $0x108;
	_ =	swait.ge @!p0 [sflag:s8], $0x0  }
0x24: {  	s3 =	sadd.s32 $0x88, s3;
	s6 =	simm.s32 @!p1 $0x1082;
	[sflag:s4] =	ssyncset.s32 $0xFFFFF086  }
0x25: {  	[simem:s6], [sflag:s4] =	dma.local [hbm:s3], $0xF7A  }
0x26: {  	[smem:$0x3F9F] =	sst s1;
	(tag) =	ssettag s2;
	_ =	strace s9  }
0x27: {  	s1 =	sld [smem:$0x3FAF]  }
0x28: {  	s2 =	sld [smem:$0x3FB0]  }
0x29: {  	s4 =	sld [smem:$0x3FB2]  }
0x2a: {  	p0 =	seq.s32 s5, $0x0;
	s5 =	sld [smem:$0x3FB3]  }
0x2b: {  	s6 =	sld [smem:$0x3FB4]  }
0x2c: {  	s7 =	sld [smem:$0x3FB5]  }
0x2d: {  	s3 =	simm.s32 $0x108;
	s8 =	sld [smem:$0x3FB6]  }
0x2e: {  	s3 =	simm.s32 @!p0 $0x1082;
	s9 =	sld [smem:$0x3FB7]  }
0x2f: {  	lr =	sadd.s32 s0, s3;
	s0 =	sld [smem:$0x3FAE]  }
0x30: {  	s3 =	sld [smem:$0x3FB1]  }
0x31: {  	[smem:$0x3FBA] =	sst s10  }
0x32: {  	s10 =	sld [smem:$0x3FB8];
	_ =	sdelay $0x3  }
0x33: {  	p0 =	seq.s32 s10, $0x1;
	s10 =	sld [smem:$0x3FBA];
	_ =	sdelay $0x3  }
0x34: {  	[smem:$0x3FBA] =	sst s10  }
0x35: {  	s10 =	sld [smem:$0x3FB9];
	_ =	sdelay $0x3  }
0x36: {  	p1 =	seq.s32 s10, $0x1;
	s10 =	sld [smem:$0x3FBA];
	_ =	sdelay $0x3  }
0x37: {  	[smem:$0x3FBA] =	sst s10  }
0x38: {  	s10 =	sld [smem:$0x3FBB]  }
0x39: {  	_ = 	snop;
	(pc) =	sbr.ind lr, $3  }
0x3a: {  	_ = 	snop  }
0x3b: {  	_ = 	snop  }
0x3c: {  	p2 =	seq.s32 s10, $0x1;
	s10 =	sld [smem:$0x3FBA]  }
0x3d: {  	_ =	shalt  }
0x3e: {  	_ =	shalt  }
0x3f: {  	_ =	shalt  }
0x40: {  	_ =	shalt  }
0x41: {  	_ =	shalt  }
0x42: {  	_ =	shalt  }
0x43: {  	_ =	shalt  }
0x44: {  	_ =	shalt  }
0x45: {  	_ =	shalt  }
0x46: {  	_ =	shalt  }
0x47: {  	_ =	shalt  }
0x48: {  	_ =	shalt  }
0x49: {  	_ =	shalt  }
0x4a: {  	_ =	shalt  }
0x4b: {  	_ =	shalt  }
0x4c: {  	_ =	shalt  }
0x4d: {  	_ =	shalt  }
0x4e: {  	_ =	shalt  }
0x4f: {  	_ =	shalt  }
0x50: {  	_ =	shalt  }
0x51: {  	_ =	shalt  }
0x52: {  	_ =	shalt  }
0x53: {  	_ =	shalt  }
0x54: {  	_ =	shalt  }
0x55: {  	_ =	shalt  }
0x56: {  	_ =	shalt  }
0x57: {  	_ =	shalt  }
0x58: {  	_ =	shalt  }
0x59: {  	_ =	shalt  }
0x5a: {  	_ =	shalt  }
0x5b: {  	_ =	shalt  }
0x5c: {  	_ =	shalt  }
0x5d: {  	_ =	shalt  }
0x5e: {  	_ =	shalt  }
0x5f: {  	_ =	shalt  }
0x60: {  	_ =	shalt  }
0x61: {  	_ =	shalt  }
0x62: {  	_ =	shalt  }
0x63: {  	_ =	shalt  }
0x64: {  	_ =	shalt  }
0x65: {  	_ =	shalt  }
0x66: {  	_ =	shalt  }
0x67: {  	_ =	shalt  }
0x68: {  	_ =	shalt  }
0x69: {  	_ =	shalt  }
0x6a: {  	_ =	shalt  }
0x6b: {  	_ =	shalt  }
0x6c: {  	_ =	shalt  }
0x6d: {  	_ =	shalt  }
0x6e: {  	_ =	shalt  }
0x6f: {  	_ =	shalt  }
0x70: {  	_ =	shalt  }
0x71: {  	_ =	shalt  }
0x72: {  	_ =	shalt  }
0x73: {  	_ =	shalt  }
0x74: {  	_ =	shalt  }
0x75: {  	_ =	shalt  }
0x76: {  	_ =	shalt  }
0x77: {  	_ =	shalt  }
0x78: {  	_ =	shalt  }
0x79: {  	_ =	shalt  }
0x7a: {  	_ =	shalt  }
0x7b: {  	_ =	shalt  }
0x7c: {  	_ =	shalt  }
0x7d: {  	_ =	shalt  }
0x7e: {  	_ =	shalt  }
0x7f: {  	_ =	shalt  }
0x80: {  	_ =	shalt  }
0x81: {  	_ =	shalt  }
0x82: {  	_ =	shalt  }
0x83: {  	_ =	shalt  }
0x84: {  	_ =	shalt  }
0x85: {  	_ =	shalt  }
0x86: {  	_ =	shalt  }
0x87: {  	_ =	shalt  }
.Lfunc_end0:
.L_simem_size_0:
called_computation_lowered:
.L_overlay_start_0:
0x88: {  	s2 =	sld [smem:$0x3FD9]  }
0x89: {  	s3 =	sld [smem:$0x3FFE];
	_ =	sdelay $0x1  }
0x8a: {  	s1 =	srdreg.scid  }
0x8b: {  	s0 =	sand.u32 $0x1, s1  }
0x8c: {  	s17 =	sshll.u32 s0, $0xA;
	s2 =	sadd.s32 s3, s2  }
0x8d: {  	s2 =	sadd.s32 s2, s17  }
0x8e: {  	[smem:$0x3FC6] =	sst s2  }
0x8f: {  	_ = 	snop  }
0x90: {  	s2 =	sld [smem:$0x3FC8]  }
0x91: {  	s18 =	sld [smem:$0x3FD0];
	(tm) =	ssettm $0x1  }
0x92: {  	s4 =	sld [smem:$0x3FFB];
	_ =	sdelay $0x3  }
0x93: {  	_ =	strace s4  }
0x94: {  	s4 =	sld [smem:$0x3FFC];
	_ =	sdelay $0x3  }
0x95: {  	_ =	strace s4  }
0x96: {  	s4 =	sld [smem:$0x3FFD];
	_ =	sdelay $0x3  }
0x97: {  	_ =	strace s4  }
0x98: {  	_ =	strace $0x8FFFFFFF  }
0x99: {  	s19 =	sld [smem:$0x3FDB];
	_ =	sdelay $0x1  }
0x9a: {  	s5 =	simm.s32 $_scs_section_size  }
0x9b: {  	s6 =	simm.s32 $_size__tile_overlayer_lowered;
	s7 =	simm.s32 $_tile_overlayer_lowered  }
0x9c: {  	s22 =	simm.s32 $0x1BFF;
	s21 =	sshll.u32 s7, $0x1;
	s4 =	sadd.s32 s5, s19  }
0x9d: {  	s8 =	simm.s32 $0x0;
	s20 =	sshll.u32 s6, $0x1;
	s6 =	sadd.s32 s21, s4  }
0x9e: {  	[timem:s8], [sflag:s22] =	dma.local [hbm:s6], s20  }
0x9f: {  	_ =	swait.ge [sflag:s22], s20  }
0xa0: {  	s5 =	ssub.s32 $0x0, s20;
	[sflag:s22] =	ssyncset.done $0x0  }
0xa1: {  	[sflag:s22] =	ssyncadd.s32 s5;
	_ =	sdelay $0x1  }
0xa2: {  	s23 =	simm.s32 $0x1B8B  }
0xa3: {  	_ =	swait.ge [sflag:s23], $0x1  }
0xa4: {  	[sflag:s23] =	ssyncset.done $0x0  }
0xa5: {  	s25 =	simm.s32 $0x1B8E;
	s24 =	sld [smem:$0x3FFE];
	[sflag:s23] =	ssyncadd.s32 $0xFFFFFFFF  }
0xa6: {  	s26 =	simm.s32 $execute0_lowered;
	[smem:$0x3FD2] =	sst s25  }
0xa7: {  	s6 =	sshll.u32 s26, $0x1;
	_ =	strace $0x80000046;
	[dreg:$0x1] =	wrdreg $0xFFFFFFFF  }
0xa8: {  	s28 =	simm.s32 $_size_execute0_lowered;
	s4 =	sadd.s32 s4, s6;
	[dreg:$0x0] =	wrdreg $0x0  }
0xa9: {  	s6 =	sshll.u32 s28, $0x1;
	[dreg:$0x2] =	wrdreg s4  }
0xaa: {  	[dreg:$0x3] =	wrdreg s6  }
0xab: {  	[dreg:$0x4] =	wrdreg $0xC0  }
0xac: {  	_ =	task [dreg:s8], $0x5FFFF  }
0xad: {  	[dreg:$0x1] =	wrdreg $0xFFFFFFFF  }
0xae: {  	[dreg:$0x0] =	wrdreg $0x60  }
0xaf: {  	[dreg:$0x2] =	wrdreg s24  }
0xb0: {  	[dreg:$0x3] =	wrdreg s2  }
0xb1: {  	[dreg:$0x4] =	wrdreg s18  }
0xb2: {  	[dreg:$0x5] =	wrdreg $0x9  }
0xb3: {  	_ =	task.clear_ibuf [dreg:s8], $0x6FFFF;
	_ =	strace $0x90000046  }
0xb4: {  	s29 =	simm.s32 $0x9;
	_ =	strace $0x80000048  }
0xb5: {  	_ =	swait.ge [sflag:s29], $0x1  }
0xb6: {  	[sflag:s29] =	ssyncadd.s32 $0xFFFFFFFF  }
0xb7: {  	_ =	strace $0x90000048  }
0xb8: {  	_ =	sfence  }
0xb9: {  	s30 =	sld [smem:$0x0];
	_ =	sdelay $0x2  }
0xba: {  	s31 =	sshll.u32 s1, $0xD;
	s1 =	sshrl.u32 s1, $0x2  }
0xbb: {  	s3 =	sand.u32 $0x4000, s31;
	s1 =	sadd.s32 s1, s30  }
0xbc: {  	s0 =	sor.u32 s3, s0;
	s1 =	sshll.u32 s1, $0x11  }
0xbd: {  	s0 =	sor.u32 s1, s0  }
0xbe: {  	s0 =	sadd.s32 $0x8F2B, s0  }
0xbf: {  	[sflag:s0] =	ssyncadd.remote.s32 $0x1  }
0xc0: {  	_ =	sfence.sel $0xFFFF  }
0xc1: {  	[dreg:$0x0] =	wrdreg $0xFFFFFFFF;
	(pc) =	sbr.abs _section_cstart, $3  }
0xc2: {  	[dreg:$0x1] =	wrdreg $0xFFFFFFFF  }
0xc3: {  	_ =	task.clear_ibuf [dreg:s8], $0x2FFFF;
	_ =	strace $0x9FFFFFFF  }
0xc4: {  	(tm) =	ssettm $0x7FFFFFFF  }
0xc5: {  	_ =	shalt  }
tec
execute0_lowered:
.L_overlay_start_1:
0x0: {  	(tag) =	ssettag $0x1  }
0x1: {  	s1 =	rddreg [dreg:$0x0]  }
0x2: {  	s0 =	srdreg.scid;
	s2 =	rddreg [dreg:$0x1]  }
0x3: {  	s7 =	stileid.u32;
	s11 =	rddreg [dreg:$0x2];
	s12 =	simm.s32 $0x5  }
0x4: {  	s13 =	simm.s32 $0x80;
	s14 =	simm.s32 $0x6400;
	s15 =	simm.s32 $0xA400  }
0x5: {  	s16 =	simm.s32 $0x1;
	s18 =	simm.s32 $0xE400;
	s20 =	simm.s32 $0x12400  }
0x6: {  	s21 =	simm.s32 $0x2;
	s22 =	simm.s32 $0x3;
	s23 =	simm.s32 $0x200  }
0x7: {  	s24 =	simm.s32 $0x280;
	s25 =	simm.s32 $0x4;
	s26 =	simm.s32 $0x6300  }
0x8: {  	s0 =	sand.u32 $0x1, s0;
	s3 =	sshll.u32 s7, $0x1;
	s7 =	smul.u32 $0x640000, s7  }
0x9: {  	s4 =	sor.u32 s0, s3;
	s6 =	ssub.s32 $0x2, s0;
	s0 =	smul.u32 $0x320000, s0  }
0xa: {  	s28 =	simm.s32 $0x6380;
	s3 =	simm.s32 $0x0;
	s5 =	smul.u32 $0xC80, s4  }
0xb: {  	s4 =	smul.u32 $0x320000, s4;
	[smem:$0x7FF] =	sst s3;
	s8 =	sshrl.u32 s6, $0x1  }
0xc: {  	s29 =	simm.s32 $0x0;
	_ =	strace $0x80000047;
	s6 =	ssub.s32 s6, s8  }
0xd: {  	s0 =	sadd.s32 s0, s7;
	s1 =	sadd.s32 s5, s1;
	s30 =	sshrl.u32 s4, $0x3  }
0xe: {  	s6 =	smax.u32 s6, $0x1;
	s31 =	sor.u32 $0x10000, s0;
	s0 =	sor.u32 $0x18000, s0  }
0xf: {  	s4 =	sadd.s32 $0x400, s1;
	s5 =	sadd.s32 s11, s30;
	s1 =	sshrl.u32 s31, $0x3  }
0x10: {  	s0 =	sshrl.u32 s0, $0x3;
	s7 =	sadd.s32 $0x1000, s5;
	s8 =	sadd.s32 $0x62000, s5  }
0x11: {  	s9 =	sadd.s32 $0x63000, s5;
	s10 =	sadd.s32 s1, s11;
	s0 =	sadd.s32 s0, s11  }
.LBB2_1:
0x12: {  	[tilespmem:s3], [sflag:$0x5] =	stream.linear.gather [hbm4b:s4+s3], $0x6400, $0x38;
	[tilespmem:$0x16400] =	vst v63  }
0x13: {  	_ =	swait.ge [sflag:s12], $0x6400  }
0x14: {  	[sflag:s12] =	ssyncset.done $0x0  }
0x15: {  	[sflag:s12] =	ssyncadd.s32 $0xFFFF9C00  }
0x16: {  	[tilespmem:s14], [sflag:$0x1] =	stream.indirect.gather [hbm4b:s2+s13], $0x80, s3, s13, $0xb8;
	[tilespmem:$0x16400] =	vst v63  }
0x17: {  	_ = 	snop  }
0x18: {  	[tilespmem:s15], [sflag:$0x1] =	stream.indirect.gather [hbm4b:s2+s13], $0x80, s13, s13, $0xb8;
	[tilespmem:$0x16400] =	vst v63  }
0x19: {  	_ =	swait.ge [sflag:s16], $0x4000  }
0x1a: {  	[sflag:s16] =	ssyncset.done $0x0  }
0x1b: {  	[sflag:s16] =	ssyncadd.s32 $0xFFFFC000  }
0x1c: {  	_ =	swait.ge [sflag:s16], $0x4000  }
0x1d: {  	[sflag:s16] =	ssyncset.done $0x0  }
0x1e: {  	s1 =	simm.s32 $0x100;
	[sflag:s16] =	ssyncadd.s32 $0xFFFFC000  }
0x1f: {  	[tilespmem:s18], [sflag:$0x2] =	stream.indirect.gather [hbm4b:s2+s13], $0x80, s1, s13, $0xb8;
	[tilespmem:$0x16400] =	vst v63  }
0x20: {  	s17 =	simm.s32 $0x180  }
0x21: {  	[tilespmem:s20], [sflag:$0x2] =	stream.indirect.gather [hbm4b:s2+s13], $0x80, s17, s13, $0xb8;
	[tilespmem:$0x16400] =	vst v63  }
0x22: {  	_ = 	snop  }
0x23: {  	[hbm4b:s5+s3] =	stream.linear.scatter [tilespmem:s14], [sflag:$0x3], $0x8000, $0x38;
	[tilespmem:$0x16400] =	vst v63  }
0x24: {  	_ =	swait.ge [sflag:s21], $0x4000  }
0x25: {  	[sflag:s21] =	ssyncset.done $0x0  }
0x26: {  	[sflag:s21] =	ssyncadd.s32 $0xFFFFC000  }
0x27: {  	_ =	swait.ge [sflag:s21], $0x4000  }
0x28: {  	[sflag:s21] =	ssyncset.done $0x0  }
0x29: {  	[sflag:s21] =	ssyncadd.s32 $0xFFFFC000  }
0x2a: {  	_ =	swait.ge [sflag:s22], $0x8000  }
0x2b: {  	[sflag:s22] =	ssyncset.done $0x0  }
0x2c: {  	[sflag:s22] =	ssyncadd.s32 $0xFFFF8000  }
0x2d: {  	[tilespmem:s14], [sflag:$0x1] =	stream.indirect.gather [hbm4b:s2+s13], $0x80, s23, s13, $0xb8;
	[tilespmem:$0x16400] =	vst v63  }
0x2e: {  	_ = 	snop  }
0x2f: {  	[tilespmem:s15], [sflag:$0x1] =	stream.indirect.gather [hbm4b:s2+s13], $0x80, s24, s13, $0xb8;
	[tilespmem:$0x16400] =	vst v63  }
0x30: {  	_ = 	snop  }
0x31: {  	[hbm4b:s7+s3] =	stream.linear.scatter [tilespmem:s18], [sflag:$0x4], $0x8000, $0x38;
	[tilespmem:$0x16400] =	vst v63  }
0x32: {  	_ =	swait.ge [sflag:s16], $0x4000  }
0x33: {  	[sflag:s16] =	ssyncset.done $0x0  }
0x34: {  	[sflag:s16] =	ssyncadd.s32 $0xFFFFC000  }
0x35: {  	_ =	swait.ge [sflag:s16], $0x4000  }
0x36: {  	[sflag:s16] =	ssyncset.done $0x0  }
0x37: {  	[sflag:s16] =	ssyncadd.s32 $0xFFFFC000  }
0x38: {  	_ =	swait.ge [sflag:s25], $0x8000  }
0x39: {  	[sflag:s25] =	ssyncset.done $0x0  }
0x3a: {  	s19 =	simm.s32 $0x300;
	[sflag:s25] =	ssyncadd.s32 $0xFFFF8000  }
0x3b: {  	[tilespmem:s18], [sflag:$0x2] =	stream.indirect.gather [hbm4b:s2+s13], $0x80, s19, s13, $0xb8;
	[tilespmem:$0x16400] =	vst v63  }
0x3c: {  	s11 =	simm.s32 $0x380  }
0x3d: {  	[tilespmem:s20], [sflag:$0x2] =	stream.indirect.gather [hbm4b:s2+s13], $0x80, s11, s13, $0xb8;
	[tilespmem:$0x16400] =	vst v63  }
0x3e: {  	_ = 	snop  }
0x3f: {  	[hbm4b:s10+s3] =	stream.linear.scatter [tilespmem:s14], [sflag:$0x3], $0x8000, $0x38;
	[tilespmem:$0x16400] =	vst v63  }
0x40: {  	_ =	swait.ge [sflag:s21], $0x4000  }
0x41: {  	[sflag:s21] =	ssyncset.done $0x0  }
0x42: {  	[sflag:s21] =	ssyncadd.s32 $0xFFFFC000  }
0x43: {  	_ =	swait.ge [sflag:s21], $0x4000  }
0x44: {  	[sflag:s21] =	ssyncset.done $0x0  }
0x45: {  	[sflag:s21] =	ssyncadd.s32 $0xFFFFC000  }
0x46: {  	_ =	swait.ge [sflag:s22], $0x8000  }
0x47: {  	s30 =	simm.s32 $0x800;
	[sflag:s22] =	ssyncset.done $0x0  }
0x48: {  	s31 =	sadd.s32 $0x2000, s10;
	s17 =	simm.s32 $0x400;
	[sflag:s22] =	ssyncadd.s32 $0xFFFF8000  }
0x49: {  	[tilespmem:s14], [sflag:$0x1] =	stream.indirect.gather [hbm4b:s2+s13], $0x80, s17, s13, $0xb8;
	[tilespmem:$0x16400] =	vst v63  }
0x4a: {  	s1 =	sadd.s32 $0x2000, s0;
	s19 =	simm.s32 $0x480;
	s11 =	smov.u32 s0  }
0x4b: {  	[tilespmem:s15], [sflag:$0x1] =	stream.indirect.gather [hbm4b:s2+s13], $0x80, s19, s13, $0xb8;
	[tilespmem:$0x16400] =	vst v63  }
.LBB2_2:
0x4c: {  	[hbm4b:s11+s3] =	stream.linear.scatter [tilespmem:s18], [sflag:$0x4], $0x8000, $0x38;
	[tilespmem:$0x16400] =	vst v63  }
0x4d: {  	s17 =	smov.u32 s30;
	s11 =	smov.u32 s1  }
0x4e: {  	p0 =	sne.s32 s30, $0x17800;
	s30 =	sadd.s32 $0x800, s30;
	_ =	swait.ge [sflag:s16], $0x4000  }
0x4f: {  	[sflag:s16] =	ssyncset.done $0x0  }
0x50: {  	[sflag:s16] =	ssyncadd.s32 $0xFFFFC000  }
0x51: {  	_ =	swait.ge [sflag:s16], $0x4000  }
0x52: {  	[sflag:s16] =	ssyncset.done $0x0  }
0x53: {  	[sflag:s16] =	ssyncadd.s32 $0xFFFFC000  }
0x54: {  	_ =	swait.ge [sflag:s25], $0x8000  }
0x55: {  	s17 =	sshra.s32 s17, $0x2;
	[sflag:s25] =	ssyncset.done $0x0  }
0x56: {  	s19 =	sadd.s32 $0x300, s17;
	[sflag:s25] =	ssyncadd.s32 $0xFFFF8000  }
0x57: {  	[tilespmem:s18], [sflag:$0x2] =	stream.indirect.gather [hbm4b:s2+s13], $0x80, s19, s13, $0xb8;
	[tilespmem:$0x16400] =	vst v63  }
0x58: {  	s19 =	sadd.s32 $0x380, s17  }
0x59: {  	[tilespmem:s20], [sflag:$0x2] =	stream.indirect.gather [hbm4b:s2+s13], $0x80, s19, s13, $0xb8;
	[tilespmem:$0x16400] =	vst v63  }
0x5a: {  	_ = 	snop  }
0x5b: {  	[hbm4b:s31+s3] =	stream.linear.scatter [tilespmem:s14], [sflag:$0x3], $0x8000, $0x38;
	[tilespmem:$0x16400] =	vst v63  }
0x5c: {  	_ =	swait.ge [sflag:s21], $0x4000  }
0x5d: {  	[sflag:s21] =	ssyncset.done $0x0  }
0x5e: {  	[sflag:s21] =	ssyncadd.s32 $0xFFFFC000  }
0x5f: {  	_ =	swait.ge [sflag:s21], $0x4000  }
0x60: {  	[sflag:s21] =	ssyncset.done $0x0  }
0x61: {  	[sflag:s21] =	ssyncadd.s32 $0xFFFFC000  }
0x62: {  	_ =	swait.ge [sflag:s22], $0x8000  }
0x63: {  	[sflag:s22] =	ssyncset.done $0x0  }
.Ltmp0:
0x64: {  	s19 =	sadd.s32 $0x400, s17;
	[sflag:s22] =	ssyncadd.s32 $0xFFFF8000;
	(pc) =	sbr.rel @p0 .LBB2_2-.Ltmp0, $4  }
0x65: {  	[tilespmem:s14], [sflag:$0x1] =	stream.indirect.gather [hbm4b:s2+s13], $0x80, s19, s13, $0xb8;
	[tilespmem:$0x16400] =	vst v63  }
0x66: {  	s17 =	sadd.s32 $0x480, s17  }
0x67: {  	[tilespmem:s15], [sflag:$0x1] =	stream.indirect.gather [hbm4b:s2+s13], $0x80, s17, s13, $0xb8;
	[tilespmem:$0x16400] =	vst v63  }
0x68: {  	s1 =	sadd.s32 $0x2000, s1;
	s31 =	sadd.s32 $0x2000, s31  }
0x69: {  	[hbm4b:s11+s3] =	stream.linear.scatter [tilespmem:s18], [sflag:$0x4], $0x8000, $0x38;
	[tilespmem:$0x16400] =	vst v63  }
0x6a: {  	_ =	swait.ge [sflag:s16], $0x4000  }
0x6b: {  	[sflag:s16] =	ssyncset.done $0x0  }
0x6c: {  	[sflag:s16] =	ssyncadd.s32 $0xFFFFC000  }
0x6d: {  	_ =	swait.ge [sflag:s16], $0x4000  }
0x6e: {  	[sflag:s16] =	ssyncset.done $0x0  }
0x6f: {  	[sflag:s16] =	ssyncadd.s32 $0xFFFFC000  }
0x70: {  	_ =	swait.ge [sflag:s25], $0x8000  }
0x71: {  	[sflag:s25] =	ssyncset.done $0x0  }
0x72: {  	[sflag:s25] =	ssyncadd.s32 $0xFFFF8000  }
0x73: {  	[tilespmem:s18], [sflag:$0x2] =	stream.indirect.gather [hbm4b:s2+s13], $0x80, s26, s13, $0xb8;
	[tilespmem:$0x16400] =	vst v63  }
0x74: {  	_ = 	snop  }
0x75: {  	[tilespmem:s20], [sflag:$0x2] =	stream.indirect.gather [hbm4b:s2+s13], $0x80, s28, s13, $0xb8;
	[tilespmem:$0x16400] =	vst v63  }
0x76: {  	_ = 	snop  }
0x77: {  	[hbm4b:s8+s3] =	stream.linear.scatter [tilespmem:s14], [sflag:$0x3], $0x8000, $0x38;
	[tilespmem:$0x16400] =	vst v63  }
0x78: {  	_ =	swait.ge [sflag:s21], $0x4000  }
0x79: {  	[sflag:s21] =	ssyncset.done $0x0  }
0x7a: {  	[sflag:s21] =	ssyncadd.s32 $0xFFFFC000  }
0x7b: {  	_ =	swait.ge [sflag:s21], $0x4000  }
0x7c: {  	[sflag:s21] =	ssyncset.done $0x0  }
0x7d: {  	[sflag:s21] =	ssyncadd.s32 $0xFFFFC000  }
0x7e: {  	s29 =	sadd.s32 $0x1, s29;
	_ =	swait.ge [sflag:s22], $0x8000  }
0x7f: {  	p0 =	sne.s32 s29, s6;
	[sflag:s22] =	ssyncset.done $0x0  }
.Ltmp1:
0x80: {  	[sflag:s22] =	ssyncadd.s32 $0xFFFF8000;
	(pc) =	sbr.rel @p0 .LBB2_1-.Ltmp1, $4  }
0x81: {  	[hbm4b:s9+s3] =	stream.linear.scatter [tilespmem:s18], [sflag:$0x4], $0x8000, $0x38;
	[tilespmem:$0x16400] =	vst v63  }
0x82: {  	_ =	swait.ge [sflag:s25], $0x8000  }
0x83: {  	[sflag:s25] =	ssyncset.done $0x0  }
0x84: {  	[sflag:s25] =	ssyncadd.s32 $0xFFFF8000  }
0x85: {  	_ =	sfence.sel $0x180000  }
0x86: {  	[bflag:$0x0] =	sbarrier.arrive $0xFFFF  }
0x87: {  	_ =	strace $0x90000047  }
0x88: {  	s0 =	stileid.u32;
	[bflag:$0x2] =	sbarrier.arrive $0xFFFF  }
0x89: {  	p0 =	sne.s32 s0, $0x0;
	s0 =	rddreg [dreg:$0x3]  }
0x8a: {  	s0 =	sadd.s32 @!p0 $0x100000, s0  }
0x8b: {  	[sflag:s0] =	ssyncadd.tile.s32 @!p0 $0x1;
	_ =	shalt  }
.Lfunc_end2:
_tile_overlayer_lowered:
.L_overlay_start_2:
0x8c: {  	(tag) =	ssettag $0x2  }
0x8d: {  	s0 =	rddreg [dreg:$0x0];
	s2 =	stileid.u32  }
0x8e: {  	s1 =	rddreg [dreg:$0x1];
	p0 =	sne.s32 s2, $0x0  }
0x8f: {  	s3 =	rddreg [dreg:$0x2];
	[bflag:$0x3] =	sbarrier.arrive $0xFFFF;
	s2 =	simm.s32 @!p0 $0x1C05  }
0x90: {  	[timem:s3], [sflag:s2] =	dma.local @!p0 [hbm:s0], s1  }
0x91: {  	s0 =	simm.s32 @!p0 $0x5  }
0x92: {  	_ =	swait.ge @!p0 [sflag:s0], s1  }
0x93: {  	s1 =	ssub.s32 @!p0 $0x0, s1;
	[sflag:s0] =	ssyncset.done @!p0 $0x0  }
0x94: {  	[sflag:s0] =	ssyncadd.s32 @!p0 s1  }
0x95: {  	[bflag:$0x3] =	sbarrier.arrive $0xFFFF  }
0x96: {  	_ =	shalt  }

</sc_bundles>
